<compile_context>
chip_gen: v7x
topology: tpu7x:2x2x1
jax: 0.10.2.dev20260603
libtpu: 0.0.44.dev20260713+nightly
codegen_flags: <defaults>
</compile_context>

<pallas_src>
import functools

import jax
import jax.numpy as jnp
import numpy as np
from jax import lax
from jax.experimental import pallas as pl
from jax.experimental.pallas import tpu as pltpu
from jax.experimental.pallas import tpu_sc as plsc

_B, _A = 128, 32768
_W = 4096
_EPS = np.float32(1e-10)
_TINY = np.float32(1e-30)


def _threefry2x32(k1, k2, x0, x1):
    def rotl(x, d):
        return (x << np.uint32(d)) | (x >> np.uint32(32 - d))
    ks0, ks1 = np.uint32(k1), np.uint32(k2)
    ks2 = np.uint32(0x1BD11BDA) ^ ks0 ^ ks1
    rot = [np.array([13, 15, 26, 6], dtype=np.uint32),
           np.array([17, 29, 16, 24], dtype=np.uint32)]
    x0 = x0 + ks0
    x1 = x1 + ks1
    ks = [ks1, ks2, ks0]
    for i in range(5):
        for r in rot[i % 2]:
            x0 = x0 + x1
            x1 = rotl(x1, r)
            x1 = x0 ^ x1
        x0 = x0 + ks[0]
        x1 = x1 + ks[1] + np.uint32(i + 1)
        ks = [ks[1], ks[2], ks[0]]
    return x0, x1


def _np_uniform(key, n, minval, maxval):
    b1, b2 = _threefry2x32(key[0], key[1],
                           np.zeros(n, np.uint32), np.arange(n, dtype=np.uint32))
    bits = b1 ^ b2
    float_bits = (bits >> np.uint32(9)) | np.uint32(0x3F800000)
    f = float_bits.view(np.float32) - np.float32(1.0)
    minval, maxval = np.float32(minval), np.float32(maxval)
    return np.maximum(minval, f * (maxval - minval) + minval)


def _make_egs():
    seed_key = (np.uint32(0), np.uint32(42))
    b1, b2 = _threefry2x32(seed_key[0], seed_key[1],
                           np.zeros(2, np.uint32), np.arange(2, dtype=np.uint32))
    k_drop, k_samp = (b1[0], b2[0]), (b1[1], b2[1])
    n = _B * _A
    keep = _np_uniform(k_drop, n, 0.0, 1.0) > np.float32(0.5)
    tiny = np.float32(np.finfo(np.float32).tiny)
    u = _np_uniform(k_samp, n, tiny, 1.0).astype(np.float64)
    exp_gumbel = 1.0 / (-np.log(u))
    egs = np.where(keep, exp_gumbel, -exp_gumbel).astype(np.float32)
    return egs.reshape(_B, _A)


_EGS = _make_egs()

_KS1, _KS2 = (lambda b: (int(b[0][1]), int(b[1][1])))(
    _threefry2x32(np.uint32(0), np.uint32(42),
                  np.zeros(2, np.uint32), np.arange(2, dtype=np.uint32)))


def _eg_at(fidx):
    def rotl(x, d):
        return (x << np.uint32(d)) | (x >> np.uint32(32 - d))
    ks0 = np.uint32(_KS1)
    ks1 = np.uint32(_KS2)
    ks2 = np.uint32(0x1BD11BDA) ^ ks0 ^ ks1
    rot = [(13, 15, 26, 6), (17, 29, 16, 24)]
    x0 = jnp.zeros(fidx.shape, jnp.uint32) + ks0
    x1 = fidx.astype(jnp.uint32) + ks1
    ks = [ks1, ks2, ks0]
    for i in range(5):
        for r in rot[i % 2]:
            x0 = x0 + x1
            x1 = rotl(x1, r)
            x1 = x0 ^ x1
        x0 = x0 + ks[0]
        x1 = x1 + ks[1] + np.uint32(i + 1)
        ks = [ks[1], ks[2], ks[0]]
    bits = x0 ^ x1
    fb = (bits >> np.uint32(9)) | np.uint32(0x3F800000)
    f = lax.bitcast_convert_type(fb, jnp.float32) - np.float32(1.0)
    tiny = np.float32(np.finfo(np.float32).tiny)
    u = jnp.maximum(tiny, f * (np.float32(1.0) - tiny) + tiny)
    return np.float32(1.0) / (-jnp.log(u))


def _argmax_body(dist_ref, mask_ref, egs_ref, out_ref, mval_ref,
                 mv, iv, ml, il, has):
    j = pl.program_id(0)
    nj = pl.num_programs(0)

    @pl.when(j == 0)
    def _init():
        mv[...] = jnp.full((_B, 1), -jnp.inf, jnp.float32)
        iv[...] = jnp.zeros((_B, 1), jnp.int32)
        ml[...] = jnp.full((_B, 1), -jnp.inf, jnp.float32)
        il[...] = jnp.zeros((_B, 1), jnp.int32)
        has[...] = jnp.zeros((_B, 1), jnp.float32)

    d = dist_ref[...]
    m = mask_ref[...]
    egs = egs_ref[...]
    keep = egs > 0.0
    eg = jnp.abs(egs)

    lv = (d + _TINY) * eg
    sval = jnp.where(m != 0.0, _EPS, _TINY)
    v = jnp.where(keep, lv, sval * eg)

    gidx = lax.broadcasted_iota(jnp.int32, (_B, _W), 1) + j * _W
    big = jnp.int32(2147483647)

    bmv = jnp.max(v, axis=1, keepdims=True)
    biv = jnp.min(jnp.where(v == bmv, gidx, big), axis=1, keepdims=True)
    bml = jnp.max(lv, axis=1, keepdims=True)
    bil = jnp.min(jnp.where(lv == bml, gidx, big), axis=1, keepdims=True)
    bh = jnp.max(jnp.where(keep & (m != 0.0), 1.0, 0.0), axis=1, keepdims=True)

    upd_v = bmv > mv[...]
    mv[...] = jnp.where(upd_v, bmv, mv[...])
    iv[...] = jnp.where(upd_v, biv, iv[...])
    upd_l = bml > ml[...]
    ml[...] = jnp.where(upd_l, bml, ml[...])
    il[...] = jnp.where(upd_l, bil, il[...])
    has[...] = jnp.maximum(has[...], bh)

    @pl.when(j == nj - 1)
    def _fin():
        sel = has[...] > 0.0
        idx = jnp.where(sel, iv[...], il[...])
        rows = lax.broadcasted_iota(jnp.int32, (_B, 1), 0)
        out_ref[...] = rows * _A + idx
        mval_ref[...] = jnp.where(sel, mv[...], ml[...])


_argmax_call = pl.pallas_call(
    _argmax_body,
    grid=(_A // _W,),
    in_specs=[
        pl.BlockSpec((_B, _W), lambda j: (0, j)),
        pl.BlockSpec((_B, _W), lambda j: (0, j)),
        pl.BlockSpec((_B, _W), lambda j: (0, j)),
    ],
    out_specs=[
        pl.BlockSpec((_B, 1), lambda j: (0, 0)),
        pl.BlockSpec((_B, 1), lambda j: (0, 0)),
    ],
    out_shape=[
        jax.ShapeDtypeStruct((_B, 1), jnp.int32),
        jax.ShapeDtypeStruct((_B, 1), jnp.float32),
    ],
    scratch_shapes=[
        pltpu.VMEM((_B, 1), jnp.float32),
        pltpu.VMEM((_B, 1), jnp.int32),
        pltpu.VMEM((_B, 1), jnp.float32),
        pltpu.VMEM((_B, 1), jnp.int32),
        pltpu.VMEM((_B, 1), jnp.float32),
    ],
)

_NW_USED = 16
_BPW = _B // _NW_USED


@functools.lru_cache(maxsize=1)
def _get_sc_gather():
    @functools.partial(
        pl.kernel,
        mesh=plsc.VectorSubcoreMesh(core_axis_name="c", subcore_axis_name="s"),
        out_type=[
            jax.ShapeDtypeStruct((_B,), jnp.int32),
            jax.ShapeDtypeStruct((_B,), jnp.int32),
        ],
        scratch_types=[
            pltpu.VMEM((_BPW,), jnp.int32),
            pltpu.VMEM((_BPW,), jnp.int32),
            pltpu.VMEM((_BPW,), jnp.int32),
            pltpu.SemaphoreType.DMA,
            pltpu.SemaphoreType.DMA,
        ],
    )
    def _sc_gather(r_hbm, e_hbm, fidx_hbm, out_r, out_e,
                   idx_v, buf_r2, buf_e2, sem_r, sem_e):
        num_cores = plsc.get_sparse_core_info().num_cores
        wid = lax.axis_index("s") * num_cores + lax.axis_index("c")

        @pl.when(wid < _NW_USED)
        def _():
            base = wid * _BPW
            pltpu.sync_copy(fidx_hbm.at[pl.ds(base, _BPW)], idx_v)
            cr = pltpu.async_copy(r_hbm.at[idx_v], buf_r2, sem_r)
            ce = pltpu.async_copy(e_hbm.at[idx_v], buf_e2, sem_e)
            cr.wait()
            ce.wait()
            pltpu.sync_copy(buf_r2, out_r.at[pl.ds(base, _BPW)])
            pltpu.sync_copy(buf_e2, out_e.at[pl.ds(base, _BPW)])

    return _sc_gather


def kernel(r_space, e_space, action_mask, action_dist):
    fidx, mval = _argmax_call(action_dist, action_mask, jnp.asarray(_EGS))
    fidx = fidx.reshape(_B)
    next_r, next_e = _get_sc_gather()(
        r_space.reshape(-1), e_space.reshape(-1), fidx)
    action_prob = mval.reshape(_B) / _eg_at(fidx) - _TINY
    return next_r, next_e, action_prob

# --- scband reference (transcript-rebuilt; emitter-appended) ---
"""Pipeline reference for scband-base-actor-2611340116656 (READ-ONLY COPY).

The authoritative reference and input builder live on the scoring server;
editing this copy changes nothing except your own understanding.
"""

import jax, jax.numpy as jnp
import numpy as np

EPSILON = 1e-10
ACTION_DROPOUT_RATE = 0.5
B, A = 128, 32768
VOCAB = 1000000


def setup_inputs(seed: int = 0) -> dict:
    key = jax.random.key(seed)
    k1, k2, k3, k4 = jax.random.split(key, 4)
    r_space = jax.random.randint(k1, (B, A), 0, VOCAB, dtype=jnp.int32)
    e_space = jax.random.randint(k2, (B, A), 0, VOCAB, dtype=jnp.int32)
    mask_prob = jax.random.uniform(k3, (B, A), dtype=jnp.float32)
    action_mask = (mask_prob > 0.3).astype(jnp.float32)
    # guarantee at least one valid action per row
    action_mask = action_mask.at[:, 0].set(1.0)
    raw = jax.random.uniform(k4, (B, A), dtype=jnp.float32) * action_mask
    action_dist = raw / jnp.sum(raw, axis=-1, keepdims=True)
    return {"r_space": r_space, "e_space": e_space, "action_mask": action_mask, "action_dist": action_dist}


def reference(r_space, e_space, action_mask, action_dist):
    # BaseActor.sample_action with action-dropout mask, faithful translation
    key = jax.random.key(42)
    k_drop, k_samp = jax.random.split(key)
    rand = jax.random.uniform(k_drop, action_dist.shape, dtype=jnp.float32)
    action_keep_mask = (rand > ACTION_DROPOUT_RATE).astype(jnp.float32)
    sample_action_dist = action_dist * action_keep_mask + EPSILON * (1.0 - action_keep_mask) * action_mask
    keep_mask = action_keep_mask * action_mask
    zero_row_flag = (jnp.sum(keep_mask, axis=-1) == 0)[:, None]
    sample_action_dist = jnp.where(zero_row_flag, action_dist, sample_action_dist)
    # th.multinomial(dist, 1) == categorical sample over the (unnormalized) dist
    logits = jnp.log(sample_action_dist + 1e-30)
    idx = jax.random.categorical(k_samp, logits, axis=-1)[:, None]
    next_r = jnp.take_along_axis(r_space, idx, axis=1).squeeze(1)
    next_e = jnp.take_along_axis(e_space, idx, axis=1).squeeze(1)
    action_prob = jnp.take_along_axis(action_dist, idx, axis=1).squeeze(1)
    return (next_r, next_e, action_prob)

if __name__ == "__main__":
    import jax
    _d = setup_inputs()
    print(jax.jit(kernel)(*tuple(_d.values())))

</pallas_src>

<mosaic_0001>
#map = affine_map<(d0, d1) -> (0)>
module attributes {stable_mosaic.version = 14 : i64} {
  func.func @_sc_gather(%arg0: i32, %arg1: i32, %arg2: memref<4194304xi32, #tpu.memory_space<hbm>>, %arg3: memref<4194304xi32, #tpu.memory_space<hbm>>, %arg4: memref<128xi32, #tpu.memory_space<hbm>>, %arg5: memref<128xi32, #tpu.memory_space<hbm>>, %arg6: memref<128xi32, #tpu.memory_space<hbm>>, %arg7: memref<8xi32, #tpu.memory_space<vmem>>, %arg8: memref<8xi32, #tpu.memory_space<vmem>>, %arg9: memref<8xi32, #tpu.memory_space<vmem>>, %arg10: memref<!tpu.dma_semaphore, #tpu.memory_space<semaphore_mem>>, %arg11: memref<!tpu.dma_semaphore, #tpu.memory_space<semaphore_mem>>) attributes {dimension_semantics = [#tpu.dimension_semantics<core_parallel>, #tpu.dimension_semantics<subcore_parallel>], iteration_bounds = array<i64: 2, 16>, scalar_prefetch = 0 : i64, scratch_operands = 5 : i64, tpu.core_type = #tpu.core_type<sc_vector_subcore>, window_params = [{transform_indices = #map}, {transform_indices = #map}, {transform_indices = #map}, {transform_indices = #map}, {transform_indices = #map}]} {
    %mul3A = arith.constant 2 : i32
    %mul3A_0 = arith.muli %arg1, %mul3A : i32
    %add3A = arith.addi %mul3A_0, %arg0 : i32
    %lt3A = arith.constant 16 : i32
    %lt3A_1 = arith.cmpi slt, %add3A, %lt3A : i32
    %convert_element_type3A = arith.extui %lt3A_1 : i1 to i32
    %cond3A = arith.constant 0 : i32
    %cond3A_2 = arith.cmpi ne, %convert_element_type3A, %cond3A : i32
    scf.if %cond3A_2 {
      %mul3A_3 = arith.constant 8 : i32
      %mul3A_4 = arith.muli %add3A, %mul3A_3 : i32
      "tpu.region"() ({
        %run_scoped3A = tpu.sem_alloc : memref<!tpu.dma_semaphore, #tpu.memory_space<semaphore_mem>>
        %dma_start3A_11 = tpu.memref_slice %arg4[%mul3A_4] : memref<128xi32, #tpu.memory_space<hbm>> -> memref<8xi32, #tpu.memory_space<hbm>>
        %dma_start3A_12 = tpu.memref_slice %arg4[%mul3A_4] : memref<128xi32, #tpu.memory_space<hbm>> -> memref<8xi32, #tpu.memory_space<hbm>>
        tpu.enqueue_dma source(%dma_start3A_12 : memref<8xi32, #tpu.memory_space<hbm>>) target(%arg7 : memref<8xi32, #tpu.memory_space<vmem>>) target_semaphore(%run_scoped3A : memref<!tpu.dma_semaphore, #tpu.memory_space<semaphore_mem>>)
        %dma_wait3A_13 = tpu.memref_slice %arg4[%mul3A_4] : memref<128xi32, #tpu.memory_space<hbm>> -> memref<8xi32, #tpu.memory_space<hbm>>
        %dma_wait3A_14 = tpu.memref_slice %arg4[%mul3A_4] : memref<128xi32, #tpu.memory_space<hbm>> -> memref<8xi32, #tpu.memory_space<hbm>>
        tpu.wait_dma2 semaphore(%run_scoped3A : memref<!tpu.dma_semaphore, #tpu.memory_space<semaphore_mem>>) src(%dma_wait3A_14 : memref<8xi32, #tpu.memory_space<hbm>>) dst(%arg7 : memref<8xi32, #tpu.memory_space<vmem>>)
        tpu.yield
      }) : () -> ()
      %dma_start3A = arith.constant 0 : i32
      %dma_start3A_5 = tpu.memref_slice %arg2[%dma_start3A] : memref<4194304xi32, #tpu.memory_space<hbm>> -> memref<4194304xi32, #tpu.memory_space<hbm>>
      tpu.enqueue_indirect_dma source(%dma_start3A_5 : memref<4194304xi32, #tpu.memory_space<hbm>>) target(%arg8 : memref<8xi32, #tpu.memory_space<vmem>>) offsets(%arg7 : memref<8xi32, #tpu.memory_space<vmem>>) semaphore(%arg10 : memref<!tpu.dma_semaphore, #tpu.memory_space<semaphore_mem>>)
      %dma_start3A_6 = arith.constant 0 : i32
      %dma_start3A_7 = tpu.memref_slice %arg3[%dma_start3A_6] : memref<4194304xi32, #tpu.memory_space<hbm>> -> memref<4194304xi32, #tpu.memory_space<hbm>>
      tpu.enqueue_indirect_dma source(%dma_start3A_7 : memref<4194304xi32, #tpu.memory_space<hbm>>) target(%arg9 : memref<8xi32, #tpu.memory_space<vmem>>) offsets(%arg7 : memref<8xi32, #tpu.memory_space<vmem>>) semaphore(%arg11 : memref<!tpu.dma_semaphore, #tpu.memory_space<semaphore_mem>>)
      %dma_wait3A = arith.constant 0 : i32
      %dma_wait3A_8 = tpu.memref_slice %arg2[%dma_wait3A] : memref<4194304xi32, #tpu.memory_space<hbm>> -> memref<4194304xi32, #tpu.memory_space<hbm>>
      tpu.wait_indirect_dma semaphore(%arg10 : memref<!tpu.dma_semaphore, #tpu.memory_space<semaphore_mem>>) src(%dma_wait3A_8 : memref<4194304xi32, #tpu.memory_space<hbm>>) dst(%arg8 : memref<8xi32, #tpu.memory_space<vmem>>)
      %dma_wait3A_9 = arith.constant 0 : i32
      %dma_wait3A_10 = tpu.memref_slice %arg3[%dma_wait3A_9] : memref<4194304xi32, #tpu.memory_space<hbm>> -> memref<4194304xi32, #tpu.memory_space<hbm>>
      tpu.wait_indirect_dma semaphore(%arg11 : memref<!tpu.dma_semaphore, #tpu.memory_space<semaphore_mem>>) src(%dma_wait3A_10 : memref<4194304xi32, #tpu.memory_space<hbm>>) dst(%arg9 : memref<8xi32, #tpu.memory_space<vmem>>)
      "tpu.region"() ({
        %run_scoped3A = tpu.sem_alloc : memref<!tpu.dma_semaphore, #tpu.memory_space<semaphore_mem>>
        %dma_start3A_11 = tpu.memref_slice %arg5[%mul3A_4] : memref<128xi32, #tpu.memory_space<hbm>> -> memref<8xi32, #tpu.memory_space<hbm>>
        %dma_start3A_12 = tpu.memref_slice %arg5[%mul3A_4] : memref<128xi32, #tpu.memory_space<hbm>> -> memref<8xi32, #tpu.memory_space<hbm>>
        tpu.enqueue_dma source(%arg8 : memref<8xi32, #tpu.memory_space<vmem>>) target(%dma_start3A_12 : memref<8xi32, #tpu.memory_space<hbm>>) target_semaphore(%run_scoped3A : memref<!tpu.dma_semaphore, #tpu.memory_space<semaphore_mem>>)
        %dma_wait3A_13 = tpu.memref_slice %arg5[%mul3A_4] : memref<128xi32, #tpu.memory_space<hbm>> -> memref<8xi32, #tpu.memory_space<hbm>>
        %dma_wait3A_14 = tpu.memref_slice %arg5[%mul3A_4] : memref<128xi32, #tpu.memory_space<hbm>> -> memref<8xi32, #tpu.memory_space<hbm>>
        tpu.wait_dma2 semaphore(%run_scoped3A : memref<!tpu.dma_semaphore, #tpu.memory_space<semaphore_mem>>) src(%arg8 : memref<8xi32, #tpu.memory_space<vmem>>) dst(%dma_wait3A_14 : memref<8xi32, #tpu.memory_space<hbm>>)
        tpu.yield
      }) : () -> ()
      "tpu.region"() ({
        %run_scoped3A = tpu.sem_alloc : memref<!tpu.dma_semaphore, #tpu.memory_space<semaphore_mem>>
        %dma_start3A_11 = tpu.memref_slice %arg6[%mul3A_4] : memref<128xi32, #tpu.memory_space<hbm>> -> memref<8xi32, #tpu.memory_space<hbm>>
        %dma_start3A_12 = tpu.memref_slice %arg6[%mul3A_4] : memref<128xi32, #tpu.memory_space<hbm>> -> memref<8xi32, #tpu.memory_space<hbm>>
        tpu.enqueue_dma source(%arg9 : memref<8xi32, #tpu.memory_space<vmem>>) target(%dma_start3A_12 : memref<8xi32, #tpu.memory_space<hbm>>) target_semaphore(%run_scoped3A : memref<!tpu.dma_semaphore, #tpu.memory_space<semaphore_mem>>)
        %dma_wait3A_13 = tpu.memref_slice %arg6[%mul3A_4] : memref<128xi32, #tpu.memory_space<hbm>> -> memref<8xi32, #tpu.memory_space<hbm>>
        %dma_wait3A_14 = tpu.memref_slice %arg6[%mul3A_4] : memref<128xi32, #tpu.memory_space<hbm>> -> memref<8xi32, #tpu.memory_space<hbm>>
        tpu.wait_dma2 semaphore(%run_scoped3A : memref<!tpu.dma_semaphore, #tpu.memory_space<semaphore_mem>>) src(%arg9 : memref<8xi32, #tpu.memory_space<vmem>>) dst(%dma_wait3A_14 : memref<8xi32, #tpu.memory_space<hbm>>)
        tpu.yield
      }) : () -> ()
    } else {
    }
    return
  }
}

module attributes {stable_mosaic.version = 14 : i64} {
  func.func @_argmax_body(%arg0: i32, %arg1: memref<128x4096xf32, #tpu.memory_space<vmem>>, %arg2: memref<128x4096xf32, #tpu.memory_space<vmem>>, %arg3: memref<128x4096xf32, #tpu.memory_space<vmem>>, %arg4: memref<128x1xi32, #tpu.memory_space<vmem>>, %arg5: memref<128x1xf32, #tpu.memory_space<vmem>>, %arg6: memref<128x1xf32, #tpu.memory_space<vmem>>, %arg7: memref<128x1xi32, #tpu.memory_space<vmem>>, %arg8: memref<128x1xf32, #tpu.memory_space<vmem>>, %arg9: memref<128x1xi32, #tpu.memory_space<vmem>>, %arg10: memref<128x1xf32, #tpu.memory_space<vmem>>) attributes {dimension_semantics = [#tpu.dimension_semantics<arbitrary>], iteration_bounds = array<i64: 8>, scalar_prefetch = 0 : i64, scratch_operands = 5 : i64, tpu.core_type = #tpu.core_type<tc>, window_params = [{transform_indices = @transform_0, window_bounds = array<i64: 128, 4096>}, {transform_indices = @transform_1, window_bounds = array<i64: 128, 4096>}, {transform_indices = @transform_2, window_bounds = array<i64: 128, 4096>}, {pipeline_mode = #tpu.pipeline_mode<synchronous>, transform_indices = @transform_3, window_bounds = array<i64: 128, 1>}, {pipeline_mode = #tpu.pipeline_mode<synchronous>, transform_indices = @transform_4, window_bounds = array<i64: 128, 1>}]} {
    %eq3A = arith.constant 0 : i32
    %eq3A_0 = arith.cmpi eq, %arg0, %eq3A : i32
    %convert_element_type3A = arith.extui %eq3A_0 : i1 to i32
    %cond3A = arith.constant 0 : i32
    %cond3A_1 = arith.cmpi ne, %convert_element_type3A, %cond3A : i32
    scf.if %cond3A_1 {
      %broadcast_in_dim3A_101 = arith.constant 0xFF800000 : f32
      %broadcast_in_dim3A_102 = vector.broadcast %broadcast_in_dim3A_101 : f32 to vector<128x1xf32>
      %swap3A_103 = arith.constant 0 : index
      %swap3A_104 = arith.constant 0 : index
      %swap3A_105 = vector.load %arg6[%swap3A_103, %swap3A_104] : memref<128x1xf32, #tpu.memory_space<vmem>>, vector<128x1xf32>
      tpu.vector_store %arg6[%swap3A_103, %swap3A_104], %broadcast_in_dim3A_102 {strides = array<i32>} : memref<128x1xf32, #tpu.memory_space<vmem>>, vector<128x1xf32>,
      %broadcast_in_dim3A_106 = arith.constant 0 : i32
      %broadcast_in_dim3A_107 = vector.broadcast %broadcast_in_dim3A_106 : i32 to vector<128x1xi32>
      %swap3A_108 = arith.constant 0 : index
      %swap3A_109 = arith.constant 0 : index
      %swap3A_110 = vector.load %arg7[%swap3A_108, %swap3A_109] : memref<128x1xi32, #tpu.memory_space<vmem>>, vector<128x1xi32>
      tpu.vector_store %arg7[%swap3A_108, %swap3A_109], %broadcast_in_dim3A_107 {strides = array<i32>} : memref<128x1xi32, #tpu.memory_space<vmem>>, vector<128x1xi32>,
      %broadcast_in_dim3A_111 = arith.constant 0xFF800000 : f32
      %broadcast_in_dim3A_112 = vector.broadcast %broadcast_in_dim3A_111 : f32 to vector<128x1xf32>
      %swap3A_113 = arith.constant 0 : index
      %swap3A_114 = arith.constant 0 : index
      %swap3A_115 = vector.load %arg8[%swap3A_113, %swap3A_114] : memref<128x1xf32, #tpu.memory_space<vmem>>, vector<128x1xf32>
      tpu.vector_store %arg8[%swap3A_113, %swap3A_114], %broadcast_in_dim3A_112 {strides = array<i32>} : memref<128x1xf32, #tpu.memory_space<vmem>>, vector<128x1xf32>,
      %broadcast_in_dim3A_116 = arith.constant 0 : i32
      %broadcast_in_dim3A_117 = vector.broadcast %broadcast_in_dim3A_116 : i32 to vector<128x1xi32>
      %swap3A_118 = arith.constant 0 : index
      %swap3A_119 = arith.constant 0 : index
      %swap3A_120 = vector.load %arg9[%swap3A_118, %swap3A_119] : memref<128x1xi32, #tpu.memory_space<vmem>>, vector<128x1xi32>
      tpu.vector_store %arg9[%swap3A_118, %swap3A_119], %broadcast_in_dim3A_117 {strides = array<i32>} : memref<128x1xi32, #tpu.memory_space<vmem>>, vector<128x1xi32>,
      %broadcast_in_dim3A_121 = arith.constant 0.000000e+00 : f32
      %broadcast_in_dim3A_122 = vector.broadcast %broadcast_in_dim3A_121 : f32 to vector<128x1xf32>
      %swap3A_123 = arith.constant 0 : index
      %swap3A_124 = arith.constant 0 : index
      %swap3A_125 = vector.load %arg10[%swap3A_123, %swap3A_124] : memref<128x1xf32, #tpu.memory_space<vmem>>, vector<128x1xf32>
      tpu.vector_store %arg10[%swap3A_123, %swap3A_124], %broadcast_in_dim3A_122 {strides = array<i32>} : memref<128x1xf32, #tpu.memory_space<vmem>>, vector<128x1xf32>,
    } else {
    }
    %get3A = arith.constant 0 : index
    %get3A_2 = arith.constant 0 : index
    %get3A_3 = vector.load %arg1[%get3A, %get3A_2] : memref<128x4096xf32, #tpu.memory_space<vmem>>, vector<128x4096xf32>
    %get3A_4 = arith.constant 0 : index
    %get3A_5 = arith.constant 0 : index
    %get3A_6 = vector.load %arg2[%get3A_4, %get3A_5] : memref<128x4096xf32, #tpu.memory_space<vmem>>, vector<128x4096xf32>
    %get3A_7 = arith.constant 0 : index
    %get3A_8 = arith.constant 0 : index
    %get3A_9 = vector.load %arg3[%get3A_7, %get3A_8] : memref<128x4096xf32, #tpu.memory_space<vmem>>, vector<128x4096xf32>
    %gt3A = arith.constant 0.000000e+00 : f32
    %gt3A_10 = vector.broadcast %gt3A : f32 to vector<128x4096xf32>
    %gt3A_11 = arith.cmpf ogt, %get3A_9, %gt3A_10 : vector<128x4096xf32>
    %abs3A = math.absf %get3A_9 : vector<128x4096xf32>
    %add3A = arith.constant 1.000000e-30 : f32
    %add3A_12 = vector.broadcast %add3A : f32 to vector<128x4096xf32>
    %add3A_13 = arith.addf %get3A_3, %add3A_12 : vector<128x4096xf32>
    %mul3A = arith.mulf %add3A_13, %abs3A : vector<128x4096xf32>
    %ne3A = arith.constant 0.000000e+00 : f32
    %ne3A_14 = vector.broadcast %ne3A : f32 to vector<128x4096xf32>
    %ne3A_15 = arith.cmpf one, %get3A_6, %ne3A_14 : vector<128x4096xf32>
    %jit3A = arith.constant 1.000000e-10 : f32
    %jit3A_16 = arith.constant 1.000000e-30 : f32
    %broadcast_in_dim3A = vector.broadcast %jit3A : f32 to vector<128x4096xf32>
    %broadcast_in_dim3A_17 = vector.broadcast %jit3A_16 : f32 to vector<128x4096xf32>
    %select_n3A = arith.select %ne3A_15, %broadcast_in_dim3A, %broadcast_in_dim3A_17 : vector<128x4096xi1>, vector<128x4096xf32>
    %mul3A_18 = arith.mulf %select_n3A, %abs3A : vector<128x4096xf32>
    %select_n3A_19 = arith.select %gt3A_11, %mul3A, %mul3A_18 : vector<128x4096xi1>, vector<128x4096xf32>
    %iota3A = tpu.iota {dimensions = array<i32: 1>} : vector<128x4096xi32>
    %mul3A_20 = arith.constant 4096 : i32
    %mul3A_21 = arith.muli %arg0, %mul3A_20 : i32
    %add3A_22 = vector.broadcast %mul3A_21 : i32 to vector<128x4096xi32>
    %add3A_23 = arith.addi %iota3A, %add3A_22 : vector<128x4096xi32>
    %reduce_max3A = arith.constant dense<0xFF800000> : vector<128xf32>
    %reduce_max3A_24 = vector.multi_reduction <maximumf>, %select_n3A_19, %reduce_max3A [1] : vector<128x4096xf32> to vector<128xf32>
    %broadcast_in_dim3A_25 = vector.shape_cast %reduce_max3A_24 : vector<128xf32> to vector<128x1xf32>
    %eq3A_26 = vector.broadcast %broadcast_in_dim3A_25 : vector<128x1xf32> to vector<128x4096xf32>
    %eq3A_27 = arith.cmpf oeq, %select_n3A_19, %eq3A_26 : vector<128x4096xf32>
    %jit3A_28 = arith.constant 2147483647 : i32
    %broadcast_in_dim3A_29 = vector.broadcast %jit3A_28 : i32 to vector<128x4096xi32>
    %select_n3A_30 = arith.select %eq3A_27, %add3A_23, %broadcast_in_dim3A_29 : vector<128x4096xi1>, vector<128x4096xi32>
    %reduce_min3A = arith.constant dense<2147483647> : vector<128xi32>
    %reduce_min3A_31 = vector.multi_reduction <minsi>, %select_n3A_30, %reduce_min3A [1] : vector<128x4096xi32> to vector<128xi32>
    %broadcast_in_dim3A_32 = vector.shape_cast %reduce_min3A_31 : vector<128xi32> to vector<128x1xi32>
    %reduce_max3A_33 = arith.constant dense<0xFF800000> : vector<128xf32>
    %reduce_max3A_34 = vector.multi_reduction <maximumf>, %mul3A, %reduce_max3A_33 [1] : vector<128x4096xf32> to vector<128xf32>
    %broadcast_in_dim3A_35 = vector.shape_cast %reduce_max3A_34 : vector<128xf32> to vector<128x1xf32>
    %eq3A_36 = vector.broadcast %broadcast_in_dim3A_35 : vector<128x1xf32> to vector<128x4096xf32>
    %eq3A_37 = arith.cmpf oeq, %mul3A, %eq3A_36 : vector<128x4096xf32>
    %jit3A_38 = arith.constant 2147483647 : i32
    %broadcast_in_dim3A_39 = vector.broadcast %jit3A_38 : i32 to vector<128x4096xi32>
    %select_n3A_40 = arith.select %eq3A_37, %add3A_23, %broadcast_in_dim3A_39 : vector<128x4096xi1>, vector<128x4096xi32>
    %reduce_min3A_41 = arith.constant dense<2147483647> : vector<128xi32>
    %reduce_min3A_42 = vector.multi_reduction <minsi>, %select_n3A_40, %reduce_min3A_41 [1] : vector<128x4096xi32> to vector<128xi32>
    %broadcast_in_dim3A_43 = vector.shape_cast %reduce_min3A_42 : vector<128xi32> to vector<128x1xi32>
    %ne3A_44 = arith.constant 0.000000e+00 : f32
    %ne3A_45 = vector.broadcast %ne3A_44 : f32 to vector<128x4096xf32>
    %ne3A_46 = arith.cmpf one, %get3A_6, %ne3A_45 : vector<128x4096xf32>
    %and3A = arith.andi %gt3A_11, %ne3A_46 : vector<128x4096xi1>
    %jit3A_47 = arith.constant 1.000000e+00 : f32
    %jit3A_48 = arith.constant 0.000000e+00 : f32
    %broadcast_in_dim3A_49 = vector.broadcast %jit3A_47 : f32 to vector<128x4096xf32>
    %broadcast_in_dim3A_50 = vector.broadcast %jit3A_48 : f32 to vector<128x4096xf32>
    %select_n3A_51 = arith.select %and3A, %broadcast_in_dim3A_49, %broadcast_in_dim3A_50 : vector<128x4096xi1>, vector<128x4096xf32>
    %reduce_max3A_52 = arith.constant dense<0xFF800000> : vector<128xf32>
    %reduce_max3A_53 = vector.multi_reduction <maximumf>, %select_n3A_51, %reduce_max3A_52 [1] : vector<128x4096xf32> to vector<128xf32>
    %broadcast_in_dim3A_54 = vector.shape_cast %reduce_max3A_53 : vector<128xf32> to vector<128x1xf32>
    %get3A_55 = arith.constant 0 : index
    %get3A_56 = arith.constant 0 : index
    %get3A_57 = vector.load %arg6[%get3A_55, %get3A_56] : memref<128x1xf32, #tpu.memory_space<vmem>>, vector<128x1xf32>
    %gt3A_58 = arith.cmpf ogt, %broadcast_in_dim3A_25, %get3A_57 : vector<128x1xf32>
    %get3A_59 = arith.constant 0 : index
    %get3A_60 = arith.constant 0 : index
    %get3A_61 = vector.load %arg6[%get3A_59, %get3A_60] : memref<128x1xf32, #tpu.memory_space<vmem>>, vector<128x1xf32>
    %select_n3A_62 = arith.select %gt3A_58, %broadcast_in_dim3A_25, %get3A_61 : vector<128x1xi1>, vector<128x1xf32>
    %swap3A = arith.constant 0 : index
    %swap3A_63 = arith.constant 0 : index
    %swap3A_64 = vector.load %arg6[%swap3A, %swap3A_63] : memref<128x1xf32, #tpu.memory_space<vmem>>, vector<128x1xf32>
    tpu.vector_store %arg6[%swap3A, %swap3A_63], %select_n3A_62 {strides = array<i32>} : memref<128x1xf32, #tpu.memory_space<vmem>>, vector<128x1xf32>,
    %get3A_65 = arith.constant 0 : index
    %get3A_66 = arith.constant 0 : index
    %get3A_67 = vector.load %arg7[%get3A_65, %get3A_66] : memref<128x1xi32, #tpu.memory_space<vmem>>, vector<128x1xi32>
    %select_n3A_68 = arith.select %gt3A_58, %broadcast_in_dim3A_32, %get3A_67 : vector<128x1xi1>, vector<128x1xi32>
    %swap3A_69 = arith.constant 0 : index
    %swap3A_70 = arith.constant 0 : index
    %swap3A_71 = vector.load %arg7[%swap3A_69, %swap3A_70] : memref<128x1xi32, #tpu.memory_space<vmem>>, vector<128x1xi32>
    tpu.vector_store %arg7[%swap3A_69, %swap3A_70], %select_n3A_68 {strides = array<i32>} : memref<128x1xi32, #tpu.memory_space<vmem>>, vector<128x1xi32>,
    %get3A_72 = arith.constant 0 : index
    %get3A_73 = arith.constant 0 : index
    %get3A_74 = vector.load %arg8[%get3A_72, %get3A_73] : memref<128x1xf32, #tpu.memory_space<vmem>>, vector<128x1xf32>
    %gt3A_75 = arith.cmpf ogt, %broadcast_in_dim3A_35, %get3A_74 : vector<128x1xf32>
    %get3A_76 = arith.constant 0 : index
    %get3A_77 = arith.constant 0 : index
    %get3A_78 = vector.load %arg8[%get3A_76, %get3A_77] : memref<128x1xf32, #tpu.memory_space<vmem>>, vector<128x1xf32>
    %select_n3A_79 = arith.select %gt3A_75, %broadcast_in_dim3A_35, %get3A_78 : vector<128x1xi1>, vector<128x1xf32>
    %swap3A_80 = arith.constant 0 : index
    %swap3A_81 = arith.constant 0 : index
    %swap3A_82 = vector.load %arg8[%swap3A_80, %swap3A_81] : memref<128x1xf32, #tpu.memory_space<vmem>>, vector<128x1xf32>
    tpu.vector_store %arg8[%swap3A_80, %swap3A_81], %select_n3A_79 {strides = array<i32>} : memref<128x1xf32, #tpu.memory_space<vmem>>, vector<128x1xf32>,
    %get3A_83 = arith.constant 0 : index
    %get3A_84 = arith.constant 0 : index
    %get3A_85 = vector.load %arg9[%get3A_83, %get3A_84] : memref<128x1xi32, #tpu.memory_space<vmem>>, vector<128x1xi32>
    %select_n3A_86 = arith.select %gt3A_75, %broadcast_in_dim3A_43, %get3A_85 : vector<128x1xi1>, vector<128x1xi32>
    %swap3A_87 = arith.constant 0 : index
    %swap3A_88 = arith.constant 0 : index
    %swap3A_89 = vector.load %arg9[%swap3A_87, %swap3A_88] : memref<128x1xi32, #tpu.memory_space<vmem>>, vector<128x1xi32>
    tpu.vector_store %arg9[%swap3A_87, %swap3A_88], %select_n3A_86 {strides = array<i32>} : memref<128x1xi32, #tpu.memory_space<vmem>>, vector<128x1xi32>,
    %get3A_90 = arith.constant 0 : index
    %get3A_91 = arith.constant 0 : index
    %get3A_92 = vector.load %arg10[%get3A_90, %get3A_91] : memref<128x1xf32, #tpu.memory_space<vmem>>, vector<128x1xf32>
    %max3A = arith.maximumf %get3A_92, %broadcast_in_dim3A_54 : vector<128x1xf32>
    %swap3A_93 = arith.constant 0 : index
    %swap3A_94 = arith.constant 0 : index
    %swap3A_95 = vector.load %arg10[%swap3A_93, %swap3A_94] : memref<128x1xf32, #tpu.memory_space<vmem>>, vector<128x1xf32>
    tpu.vector_store %arg10[%swap3A_93, %swap3A_94], %max3A {strides = array<i32>} : memref<128x1xf32, #tpu.memory_space<vmem>>, vector<128x1xf32>,
    %eq3A_96 = arith.constant 7 : i32
    %eq3A_97 = arith.cmpi eq, %arg0, %eq3A_96 : i32
    %convert_element_type3A_98 = arith.extui %eq3A_97 : i1 to i32
    %cond3A_99 = arith.constant 0 : i32
    %cond3A_100 = arith.cmpi ne, %convert_element_type3A_98, %cond3A_99 : i32
    scf.if %cond3A_100 {
      %get3A_101 = arith.constant 0 : index
      %get3A_102 = arith.constant 0 : index
      %get3A_103 = vector.load %arg10[%get3A_101, %get3A_102] : memref<128x1xf32, #tpu.memory_space<vmem>>, vector<128x1xf32>
      %gt3A_104 = arith.constant 0.000000e+00 : f32
      %gt3A_105 = vector.broadcast %gt3A_104 : f32 to vector<128x1xf32>
      %gt3A_106 = arith.cmpf ogt, %get3A_103, %gt3A_105 : vector<128x1xf32>
      %get3A_107 = arith.constant 0 : index
      %get3A_108 = arith.constant 0 : index
      %get3A_109 = vector.load %arg7[%get3A_107, %get3A_108] : memref<128x1xi32, #tpu.memory_space<vmem>>, vector<128x1xi32>
      %get3A_110 = arith.constant 0 : index
      %get3A_111 = arith.constant 0 : index
      %get3A_112 = vector.load %arg9[%get3A_110, %get3A_111] : memref<128x1xi32, #tpu.memory_space<vmem>>, vector<128x1xi32>
      %select_n3A_113 = arith.select %gt3A_106, %get3A_109, %get3A_112 : vector<128x1xi1>, vector<128x1xi32>
      %iota3A_114 = tpu.iota {dimensions = array<i32: 0>} : vector<128x1xi32>
      %mul3A_115 = arith.constant 32768 : i32
      %mul3A_116 = vector.broadcast %mul3A_115 : i32 to vector<128x1xi32>
      %mul3A_117 = arith.muli %iota3A_114, %mul3A_116 : vector<128x1xi32>
      %add3A_118 = arith.addi %mul3A_117, %select_n3A_113 : vector<128x1xi32>
      %swap3A_119 = arith.constant 0 : index
      %swap3A_120 = arith.constant 0 : index
      %swap3A_121 = vector.load %arg4[%swap3A_119, %swap3A_120] : memref<128x1xi32, #tpu.memory_space<vmem>>, vector<128x1xi32>
      tpu.vector_store %arg4[%swap3A_119, %swap3A_120], %add3A_118 {strides = array<i32>} : memref<128x1xi32, #tpu.memory_space<vmem>>, vector<128x1xi32>,
      %get3A_122 = arith.constant 0 : index
      %get3A_123 = arith.constant 0 : index
      %get3A_124 = vector.load %arg6[%get3A_122, %get3A_123] : memref<128x1xf32, #tpu.memory_space<vmem>>, vector<128x1xf32>
      %get3A_125 = arith.constant 0 : index
      %get3A_126 = arith.constant 0 : index
      %get3A_127 = vector.load %arg8[%get3A_125, %get3A_126] : memref<128x1xf32, #tpu.memory_space<vmem>>, vector<128x1xf32>
      %select_n3A_128 = arith.select %gt3A_106, %get3A_124, %get3A_127 : vector<128x1xi1>, vector<128x1xf32>
      %swap3A_129 = arith.constant 0 : index
      %swap3A_130 = arith.constant 0 : index
      %swap3A_131 = vector.load %arg5[%swap3A_129, %swap3A_130] : memref<128x1xf32, #tpu.memory_space<vmem>>, vector<128x1xf32>
      tpu.vector_store %arg5[%swap3A_129, %swap3A_130], %select_n3A_128 {strides = array<i32>} : memref<128x1xf32, #tpu.memory_space<vmem>>, vector<128x1xf32>,
    } else {
    }
    return
  }
  func.func @transform_0(%arg0: i32) -> (i32, i32) {
    %c0_i32 = arith.constant 0 : i32
    %c0_i32_0 = arith.constant 0 : i32
    return %c0_i32, %arg0 : i32, i32
  }
  func.func @transform_1(%arg0: i32) -> (i32, i32) {
    %c0_i32 = arith.constant 0 : i32
    %c0_i32_0 = arith.constant 0 : i32
    return %c0_i32, %arg0 : i32, i32
  }
  func.func @transform_2(%arg0: i32) -> (i32, i32) {
    %c0_i32 = arith.constant 0 : i32
    %c0_i32_0 = arith.constant 0 : i32
    return %c0_i32, %arg0 : i32, i32
  }
  func.func @transform_3(%arg0: i32) -> (i32, i32) {
    %c0_i32 = arith.constant 0 : i32
    %c0_i32_0 = arith.constant 0 : i32
    %c0_i32_1 = arith.constant 0 : i32
    return %c0_i32, %c0_i32_0 : i32, i32
  }
  func.func @transform_4(%arg0: i32) -> (i32, i32) {
    %c0_i32 = arith.constant 0 : i32
    %c0_i32_0 = arith.constant 0 : i32
    %c0_i32_1 = arith.constant 0 : i32
    return %c0_i32, %c0_i32_0 : i32, i32
  }
}

</mosaic_0001>

<sc_bundles>
// kernel: kernel.4.cloned.1.call-start
scs
__scs_entry_jumppad:
0x0: {  	(pc) =	sbr.rel $0x88, $3  }
0x1: {  	(tag) =	ssettag $0x0;
	lr =	simm.s32 $0x1  }
0x2: {  	[smem:$0x3F9D] =	sst lr;
	_ =	strace $0xD0000000  }
0x3: {  	_ = 	snop  }
0x4: {  	_ = 	snop  }
0x5: {  	_ = 	snop  }
0x6: {  	_ = 	snop  }
0x7: {  	_ = 	snop  }
__scs_overlays_trampoline_lowered:
0x8: {  	[smem:$0x3FAC] =	sst s0  }
0x9: {  	[smem:$0x3FAD] =	sst s1  }
0xa: {  	[smem:$0x3FAE] =	sst s2  }
0xb: {  	[smem:$0x3FAF] =	sst s3  }
0xc: {  	[smem:$0x3FB0] =	sst s4  }
0xd: {  	[smem:$0x3FB1] =	sst s5  }
0xe: {  	[smem:$0x3FB2] =	sst s6  }
0xf: {  	[smem:$0x3FB3] =	sst s7  }
0x10: {  	[smem:$0x3FB4] =	sst s8  }
0x11: {  	[smem:$0x3FB5] =	sst s9;
	s0 =	simm.s32 @!p0 $0x0  }
0x12: {  	s1 =	sld [smem:$0x3F9B];
	s0 =	simm.s32 @p0 $0x1  }
0x13: {  	[smem:$0x3FB6] =	sst s0;
	s0 =	simm.s32 @!p1 $0x0  }
0x14: {  	s2 =	sld [smem:$0x3F9A];
	s0 =	simm.s32 @p1 $0x1  }
0x15: {  	[smem:$0x3FB7] =	sst s0;
	s0 =	simm.s32 @!p2 $0x0  }
0x16: {  	s3 =	sld [smem:$0x3FDB];
	s0 =	simm.s32 @p2 $0x1  }
0x17: {  	s4 =	simm.s32 $0x1BF5;
	[smem:$0x3FB9] =	sst s0  }
0x18: {  	s0 =	sld [smem:$0x3F9C];
	_ =	swait.ge [sflag:s4], $0x0  }
0x19: {  	s7 =	sld [smem:$0x3F9D]  }
0x1a: {  	s8 =	sadd.s32 $0xFFFFE003, lr  }
0x1b: {  	s9 =	sadd.s32 $0xFFFFFEF7, lr;
	s5 =	simm.s32 $0xFFFFFFFF;
	p2 =	slt.u32 s8, $0xFFFFF086  }
0x1c: {  	p1 =	slt.u32 s9, $0xF7A;
	s5 =	simm.s32 @!p2 $0x0  }
0x1d: {  	s5 =	simm.s32 @p1 $0x1;
	p0 =	seq.s32 s7, s2  }
0x1e: {  	s7 =	smul.u32 @!p0 $0xF7A, s2;
	p2 =	seq.s32 @!p0 s5, $0x0  }
0x1f: {  	s9 =	smul.u32 $0xF7A, s1;
	s8 =	simm.s32 @!p0 $0x1BF5;
	p2 =	por !p2, p0  }
0x20: {  	[sflag:s8] =	ssyncset.s32 @!p0 $0xFFFFF086;
	s6 =	sadd.s32 @!p0 s3, s7;
	s7 =	simm.s32 @!p0 $0x108  }
0x21: {  	s3 =	sadd.s32 s3, s9;
	s6 =	sadd.s32 @!p0 $0x88, s6;
	s7 =	simm.s32 @p2 $0x1082  }
0x22: {  	[simem:s7], [sflag:s8] =	dma.local @!p0 [hbm:s6], $0xF7A  }
0x23: {  	s9 =	sor.u32 $0xD0000000, s2;
	s6 =	simm.s32 $0x108;
	_ =	swait.ge @!p0 [sflag:s8], $0x0  }
0x24: {  	s3 =	sadd.s32 $0x88, s3;
	s6 =	simm.s32 @!p1 $0x1082;
	[sflag:s4] =	ssyncset.s32 $0xFFFFF086  }
0x25: {  	[simem:s6], [sflag:s4] =	dma.local [hbm:s3], $0xF7A  }
0x26: {  	[smem:$0x3F9D] =	sst s1;
	(tag) =	ssettag s2;
	_ =	strace s9  }
0x27: {  	s1 =	sld [smem:$0x3FAD]  }
0x28: {  	s2 =	sld [smem:$0x3FAE]  }
0x29: {  	s4 =	sld [smem:$0x3FB0]  }
0x2a: {  	p0 =	seq.s32 s5, $0x0;
	s5 =	sld [smem:$0x3FB1]  }
0x2b: {  	s6 =	sld [smem:$0x3FB2]  }
0x2c: {  	s7 =	sld [smem:$0x3FB3]  }
0x2d: {  	s3 =	simm.s32 $0x108;
	s8 =	sld [smem:$0x3FB4]  }
0x2e: {  	s3 =	simm.s32 @!p0 $0x1082;
	s9 =	sld [smem:$0x3FB5]  }
0x2f: {  	lr =	sadd.s32 s0, s3;
	s0 =	sld [smem:$0x3FAC]  }
0x30: {  	s3 =	sld [smem:$0x3FAF]  }
0x31: {  	[smem:$0x3FB8] =	sst s10  }
0x32: {  	s10 =	sld [smem:$0x3FB6];
	_ =	sdelay $0x3  }
0x33: {  	p0 =	seq.s32 s10, $0x1;
	s10 =	sld [smem:$0x3FB8];
	_ =	sdelay $0x3  }
0x34: {  	[smem:$0x3FB8] =	sst s10  }
0x35: {  	s10 =	sld [smem:$0x3FB7];
	_ =	sdelay $0x3  }
0x36: {  	p1 =	seq.s32 s10, $0x1;
	s10 =	sld [smem:$0x3FB8];
	_ =	sdelay $0x3  }
0x37: {  	[smem:$0x3FB8] =	sst s10  }
0x38: {  	s10 =	sld [smem:$0x3FB9]  }
0x39: {  	_ = 	snop;
	(pc) =	sbr.ind lr, $3  }
0x3a: {  	_ = 	snop  }
0x3b: {  	_ = 	snop  }
0x3c: {  	p2 =	seq.s32 s10, $0x1;
	s10 =	sld [smem:$0x3FB8]  }
0x3d: {  	_ =	shalt  }
0x3e: {  	_ =	shalt  }
0x3f: {  	_ =	shalt  }
0x40: {  	_ =	shalt  }
0x41: {  	_ =	shalt  }
0x42: {  	_ =	shalt  }
0x43: {  	_ =	shalt  }
0x44: {  	_ =	shalt  }
0x45: {  	_ =	shalt  }
0x46: {  	_ =	shalt  }
0x47: {  	_ =	shalt  }
0x48: {  	_ =	shalt  }
0x49: {  	_ =	shalt  }
0x4a: {  	_ =	shalt  }
0x4b: {  	_ =	shalt  }
0x4c: {  	_ =	shalt  }
0x4d: {  	_ =	shalt  }
0x4e: {  	_ =	shalt  }
0x4f: {  	_ =	shalt  }
0x50: {  	_ =	shalt  }
0x51: {  	_ =	shalt  }
0x52: {  	_ =	shalt  }
0x53: {  	_ =	shalt  }
0x54: {  	_ =	shalt  }
0x55: {  	_ =	shalt  }
0x56: {  	_ =	shalt  }
0x57: {  	_ =	shalt  }
0x58: {  	_ =	shalt  }
0x59: {  	_ =	shalt  }
0x5a: {  	_ =	shalt  }
0x5b: {  	_ =	shalt  }
0x5c: {  	_ =	shalt  }
0x5d: {  	_ =	shalt  }
0x5e: {  	_ =	shalt  }
0x5f: {  	_ =	shalt  }
0x60: {  	_ =	shalt  }
0x61: {  	_ =	shalt  }
0x62: {  	_ =	shalt  }
0x63: {  	_ =	shalt  }
0x64: {  	_ =	shalt  }
0x65: {  	_ =	shalt  }
0x66: {  	_ =	shalt  }
0x67: {  	_ =	shalt  }
0x68: {  	_ =	shalt  }
0x69: {  	_ =	shalt  }
0x6a: {  	_ =	shalt  }
0x6b: {  	_ =	shalt  }
0x6c: {  	_ =	shalt  }
0x6d: {  	_ =	shalt  }
0x6e: {  	_ =	shalt  }
0x6f: {  	_ =	shalt  }
0x70: {  	_ =	shalt  }
0x71: {  	_ =	shalt  }
0x72: {  	_ =	shalt  }
0x73: {  	_ =	shalt  }
0x74: {  	_ =	shalt  }
0x75: {  	_ =	shalt  }
0x76: {  	_ =	shalt  }
0x77: {  	_ =	shalt  }
0x78: {  	_ =	shalt  }
0x79: {  	_ =	shalt  }
0x7a: {  	_ =	shalt  }
0x7b: {  	_ =	shalt  }
0x7c: {  	_ =	shalt  }
0x7d: {  	_ =	shalt  }
0x7e: {  	_ =	shalt  }
0x7f: {  	_ =	shalt  }
0x80: {  	_ =	shalt  }
0x81: {  	_ =	shalt  }
0x82: {  	_ =	shalt  }
0x83: {  	_ =	shalt  }
0x84: {  	_ =	shalt  }
0x85: {  	_ =	shalt  }
0x86: {  	_ =	shalt  }
0x87: {  	_ =	shalt  }
.Lfunc_end0:
.L_simem_size_0:
called_computation_lowered:
.L_overlay_start_0:
0x88: {  	s2 =	sld [smem:$0x3FD9]  }
0x89: {  	s3 =	sld [smem:$0x3FFE];
	_ =	sdelay $0x1  }
0x8a: {  	s1 =	srdreg.scid  }
0x8b: {  	s0 =	sand.u32 $0x1, s1  }
0x8c: {  	s14 =	sshll.u32 s0, $0xA;
	s2 =	sadd.s32 s3, s2  }
0x8d: {  	s2 =	sadd.s32 s2, s14  }
0x8e: {  	[smem:$0x3FC4] =	sst s2  }
0x8f: {  	_ = 	snop  }
0x90: {  	s2 =	sld [smem:$0x3FD0];
	_ =	sdelay $0x2  }
0x91: {  	s15 =	simm.s32 $0xA;
	s4 =	simm.s32 $0x10  }
0x92: {  	[smem:s4], [sflag:s15] =	dma.local [hbm:s2], $0x1  }
0x93: {  	_ =	swait.eq [sflag:s15], $0x1  }
0x94: {  	[sflag:s15] =	ssyncset.done $0x0  }
0x95: {  	s16 =	sld [smem:$0x10];
	[sflag:s15] =	ssyncadd.s32 $0xFFFFFFFF  }
0x96: {  	s17 =	sld [smem:$0x11];
	(tm) =	ssettm $0x1  }
0x97: {  	s18 =	sld [smem:$0x3FFB];
	_ =	sdelay $0x3  }
0x98: {  	_ =	strace s18  }
0x99: {  	s4 =	sld [smem:$0x3FFC];
	_ =	sdelay $0x3  }
0x9a: {  	_ =	strace s4  }
0x9b: {  	s4 =	sld [smem:$0x3FFD];
	_ =	sdelay $0x3  }
0x9c: {  	_ =	strace s4  }
0x9d: {  	_ =	strace $0x8FFFFFFF  }
0x9e: {  	s19 =	sld [smem:$0x3FDB];
	_ =	sdelay $0x1  }
0x9f: {  	s5 =	simm.s32 $_scs_section_size  }
0xa0: {  	s6 =	simm.s32 $_size__tile_overlayer_lowered;
	s7 =	simm.s32 $_tile_overlayer_lowered  }
0xa1: {  	s22 =	simm.s32 $0x1BFF;
	s21 =	sshll.u32 s7, $0x1;
	s4 =	sadd.s32 s5, s19  }
0xa2: {  	s8 =	simm.s32 $0x0;
	s20 =	sshll.u32 s6, $0x1;
	s6 =	sadd.s32 s21, s4  }
0xa3: {  	[timem:s8], [sflag:s22] =	dma.local [hbm:s6], s20  }
0xa4: {  	_ =	swait.ge [sflag:s22], s20  }
0xa5: {  	s5 =	ssub.s32 $0x0, s20;
	[sflag:s22] =	ssyncset.done $0x0  }
0xa6: {  	[sflag:s22] =	ssyncadd.s32 s5;
	_ =	sdelay $0x1  }
0xa7: {  	s23 =	simm.s32 $0x1B8B  }
0xa8: {  	_ =	swait.ge [sflag:s23], $0x1  }
0xa9: {  	[sflag:s23] =	ssyncset.done $0x0  }
0xaa: {  	s25 =	simm.s32 $0x1B8E;
	s24 =	sld [smem:$0x3FFE];
	[sflag:s23] =	ssyncadd.s32 $0xFFFFFFFF  }
0xab: {  	s26 =	simm.s32 $execute0_lowered;
	[smem:$0x3FD2] =	sst s25  }
0xac: {  	s6 =	sshll.u32 s26, $0x1;
	_ =	strace $0x80000046;
	[dreg:$0x1] =	wrdreg $0xFFFFFFFF  }
0xad: {  	s28 =	simm.s32 $_size_execute0_lowered;
	s4 =	sadd.s32 s4, s6;
	[dreg:$0x0] =	wrdreg $0x0  }
0xae: {  	s6 =	sshll.u32 s28, $0x1;
	[dreg:$0x2] =	wrdreg s4  }
0xaf: {  	[dreg:$0x3] =	wrdreg s6  }
0xb0: {  	[dreg:$0x4] =	wrdreg $0xC0  }
0xb1: {  	_ =	task [dreg:s8], $0x5FFFF  }
0xb2: {  	[dreg:$0x1] =	wrdreg $0xFFFFFFFF  }
0xb3: {  	[dreg:$0x0] =	wrdreg $0x60  }
0xb4: {  	[dreg:$0x2] =	wrdreg s24  }
0xb5: {  	[dreg:$0x3] =	wrdreg s16  }
0xb6: {  	[dreg:$0x4] =	wrdreg s17  }
0xb7: {  	[dreg:$0x5] =	wrdreg $0x9  }
0xb8: {  	_ =	task.clear_ibuf [dreg:s8], $0x6FFFF;
	_ =	strace $0x90000046  }
0xb9: {  	s29 =	simm.s32 $0x9;
	_ =	strace $0x80000048  }
0xba: {  	_ =	swait.ge [sflag:s29], $0x1  }
0xbb: {  	[sflag:s29] =	ssyncadd.s32 $0xFFFFFFFF  }
0xbc: {  	_ =	strace $0x90000048  }
0xbd: {  	_ =	sfence  }
0xbe: {  	s30 =	sld [smem:$0x0];
	_ =	sdelay $0x2  }
0xbf: {  	s31 =	sshll.u32 s1, $0xD;
	s1 =	sshrl.u32 s1, $0x2  }
0xc0: {  	s3 =	sand.u32 $0x4000, s31;
	s1 =	sadd.s32 s1, s30  }
0xc1: {  	s0 =	sor.u32 s3, s0;
	s1 =	sshll.u32 s1, $0x11  }
0xc2: {  	s0 =	sor.u32 s1, s0  }
0xc3: {  	s0 =	sadd.s32 $0x8F2B, s0  }
0xc4: {  	[sflag:s0] =	ssyncadd.remote.s32 $0x1  }
0xc5: {  	_ =	sfence.sel $0xFFFF  }
0xc6: {  	[dreg:$0x0] =	wrdreg $0xFFFFFFFF;
	(pc) =	sbr.abs _section_cstart, $3  }
0xc7: {  	[dreg:$0x1] =	wrdreg $0xFFFFFFFF  }
0xc8: {  	_ =	task.clear_ibuf [dreg:s8], $0x2FFFF;
	_ =	strace $0x9FFFFFFF  }
0xc9: {  	(tm) =	ssettm $0x7FFFFFFF  }
tec
execute0_lowered:
.L_overlay_start_1:
0x0: {  	(tag) =	ssettag $0x1  }
0x1: {  	s1 =	stileid.u32  }
0x2: {  	p0 =	sgt.u32 s1, $0x7  }
.Ltmp0:
0x3: {  	s8 =	rddreg [dreg:$0x0];
	(pc) =	sbr.rel @p0 .LBB2_4-.Ltmp0, $4  }
0x4: {  	s12 =	rddreg [dreg:$0x1]  }
0x5: {  	s13 =	rddreg [dreg:$0x2];
	s2 =	simm.s32 $0x0  }
0x6: {  	[smem:$0x7FF] =	sst s2  }
0x7: {  	s0 =	rddreg [dreg:$0x3];
	_ =	strace $0x80000047  }
0x8: {  	s3 =	srdreg.scid  }
0x9: {  	s31 =	sshll.u32 s1, $0x1;
	s14 =	sand.u32 $0x1, s3  }
0xa: {  	s4 =	sadd.s32 $0x101200, s8;
	s15 =	sor.u32 s14, s31  }
0xb: {  	s3 =	simm.s32 $0x3;
	s4 =	sadd.s32 s4, s15  }
0xc: {  	[tilespmem:s2], [sflag:$0x3] =	stream.linear.gather [hbm4b:s4+s2], $0x8, $0x38;
	[tilespmem:$0x180] =	vst v63  }
0xd: {  	_ =	swait.ge [sflag:s3], $0x8  }
0xe: {  	s5 =	sadd.s32 $0x1200, s8;
	[sflag:s3] =	ssyncset.done $0x0  }
0xf: {  	s6 =	simm.s32 $0x8;
	s7 =	simm.s32 $0x80;
	[sflag:s3] =	ssyncadd.s32 $0xFFFFFFF8  }
0x10: {  	[tilespmem:s7], [sflag:$0x1] =	stream.indirect.gather [hbm4b:s5+s6], $0x1, s2, s6, $0xb8;
	[tilespmem:$0x180] =	vst v63  }
0x11: {  	s8 =	sadd.s32 $0x81200, s8;
	s9 =	simm.s32 $0x100;
	s10 =	simm.s32 $0x1  }
0x12: {  	[tilespmem:s9], [sflag:$0x2] =	stream.indirect.gather [hbm4b:s8+s6], $0x1, s2, s6, $0xb8;
	[tilespmem:$0x180] =	vst v63  }
0x13: {  	_ =	swait.ge [sflag:s10], $0x8  }
0x14: {  	[sflag:s10] =	ssyncset.done $0x0  }
0x15: {  	s11 =	simm.s32 $0x2;
	s14 =	ssub.s32 $0x2, s14;
	[sflag:s10] =	ssyncadd.s32 $0xFFFFFFF8  }
0x16: {  	s16 =	sshrl.u32 s14, $0x1;
	_ =	swait.ge [sflag:s11], $0x8  }
0x17: {  	s14 =	ssub.s32 s14, s16;
	[sflag:s11] =	ssyncset.done $0x0  }
0x18: {  	s12 =	sadd.s32 s12, s15;
	s14 =	smax.u32 s14, $0x1;
	[sflag:s11] =	ssyncadd.s32 $0xFFFFFFF8  }
0x19: {  	[hbm4b:s12+s2] =	stream.linear.scatter [tilespmem:s7], [sflag:$0x3], $0x8, $0x38;
	[tilespmem:$0x180] =	vst v63  }
0x1a: {  	p0 =	sne.s32 s14, $0x1;
	_ =	swait.ge [sflag:s3], $0x8  }
.Ltmp1:
0x1b: {  	[sflag:s3] =	ssyncset.done $0x0;
	(pc) =	sbr.rel @!p0 .LBB2_3-.Ltmp1, $4  }
0x1c: {  	s13 =	sadd.s32 s13, s15;
	[sflag:s3] =	ssyncadd.s32 $0xFFFFFFF8  }
0x1d: {  	[hbm4b:s13+s2] =	stream.linear.scatter [tilespmem:s9], [sflag:$0x3], $0x8, $0x38;
	[tilespmem:$0x180] =	vst v63  }
0x1e: {  	_ =	swait.ge [sflag:s3], $0x8  }
0x1f: {  	s14 =	sadd.s32 $0xFFFFFFFF, s14;
	[sflag:s3] =	ssyncset.done $0x0  }
.LBB2_2:
0x20: {  	p0 =	sne.s32 s14, $0x1;
	s14 =	sadd.s32 $0xFFFFFFFF, s14;
	[sflag:s3] =	ssyncadd.s32 $0xFFFFFFF8  }
0x21: {  	[tilespmem:s2], [sflag:$0x3] =	stream.linear.gather [hbm4b:s4+s2], $0x8, $0x38;
	[tilespmem:$0x180] =	vst v63  }
0x22: {  	_ =	swait.ge [sflag:s3], $0x8  }
0x23: {  	[sflag:s3] =	ssyncset.done $0x0  }
0x24: {  	[sflag:s3] =	ssyncadd.s32 $0xFFFFFFF8  }
0x25: {  	[tilespmem:s7], [sflag:$0x1] =	stream.indirect.gather [hbm4b:s5+s6], $0x1, s2, s6, $0xb8;
	[tilespmem:$0x180] =	vst v63  }
0x26: {  	_ = 	snop  }
0x27: {  	[tilespmem:s9], [sflag:$0x2] =	stream.indirect.gather [hbm4b:s8+s6], $0x1, s2, s6, $0xb8;
	[tilespmem:$0x180] =	vst v63  }
0x28: {  	_ =	swait.ge [sflag:s10], $0x8  }
0x29: {  	[sflag:s10] =	ssyncset.done $0x0  }
0x2a: {  	[sflag:s10] =	ssyncadd.s32 $0xFFFFFFF8  }
0x2b: {  	_ =	swait.ge [sflag:s11], $0x8  }
0x2c: {  	[sflag:s11] =	ssyncset.done $0x0  }
0x2d: {  	[sflag:s11] =	ssyncadd.s32 $0xFFFFFFF8  }
0x2e: {  	[hbm4b:s12+s2] =	stream.linear.scatter [tilespmem:s7], [sflag:$0x3], $0x8, $0x38;
	[tilespmem:$0x180] =	vst v63  }
0x2f: {  	_ =	swait.ge [sflag:s3], $0x8  }
.Ltmp2:
0x30: {  	[sflag:s3] =	ssyncset.done $0x0;
	(pc) =	sbr.rel @p0 .LBB2_2-.Ltmp2, $4  }
0x31: {  	[sflag:s3] =	ssyncadd.s32 $0xFFFFFFF8  }
0x32: {  	[hbm4b:s13+s2] =	stream.linear.scatter [tilespmem:s9], [sflag:$0x3], $0x8, $0x38;
	[tilespmem:$0x180] =	vst v63  }
0x33: {  	_ =	swait.ge [sflag:s3], $0x8  }
0x34: {  	[sflag:s3] =	ssyncset.done $0x0  }
.LBB2_3:
0x35: {  	[sflag:s3] =	ssyncadd.s32 $0xFFFFFFF8  }
.LBB2_4:
0x36: {  	_ =	sfence.sel $0x180000  }
0x37: {  	[bflag:$0x0] =	sbarrier.arrive $0xFFFF  }
0x38: {  	p0 =	sne.s32 s1, $0x0;
	_ =	strace $0x90000047  }
0x39: {  	s0 =	sadd.s32 @!p0 $0x100000, s0;
	[bflag:$0x2] =	sbarrier.arrive $0xFFFF  }
0x3a: {  	[sflag:s0] =	ssyncadd.tile.s32 @!p0 $0x1;
	_ =	shalt  }
.Lfunc_end2:
_tile_overlayer_lowered:
.L_overlay_start_2:
0x3b: {  	(tag) =	ssettag $0x2  }
0x3c: {  	s0 =	rddreg [dreg:$0x0];
	s2 =	stileid.u32  }
0x3d: {  	s1 =	rddreg [dreg:$0x1];
	p0 =	sne.s32 s2, $0x0  }
0x3e: {  	s3 =	rddreg [dreg:$0x2];
	[bflag:$0x3] =	sbarrier.arrive $0xFFFF;
	s2 =	simm.s32 @!p0 $0x1C03  }
0x3f: {  	[timem:s3], [sflag:s2] =	dma.local @!p0 [hbm:s0], s1  }
0x40: {  	s0 =	simm.s32 @!p0 $0x3  }
0x41: {  	_ =	swait.ge @!p0 [sflag:s0], s1  }
0x42: {  	s1 =	ssub.s32 @!p0 $0x0, s1;
	[sflag:s0] =	ssyncset.done @!p0 $0x0  }
0x43: {  	[sflag:s0] =	ssyncadd.s32 @!p0 s1  }
0x44: {  	[bflag:$0x3] =	sbarrier.arrive $0xFFFF  }
0x45: {  	_ =	shalt  }

</sc_bundles>
